<compile_context>
chip_gen: v7x
topology: tpu7x:2x2x1
jax: 0.10.2.dev20260603
libtpu: 0.0.44.dev20260713+nightly
codegen_flags: <defaults>
</compile_context>

<pallas_src>
import functools
import math

import jax
import jax.numpy as jnp
from jax import lax
from jax.experimental import pallas as pl
from jax.experimental.pallas import tpu as pltpu
from jax.experimental.pallas import tpu_sc as plsc

D_MODEL = 64
CHUNK = 64
NBUF = 4
B_BLK = 64


@functools.cache
def _build_gather(B, S, V):
    info = plsc.get_sparse_core_info()
    nc, ns = info.num_cores, info.num_subcores
    nw = nc * ns
    n = B * S
    rows_w = n // nw
    nch = rows_w // CHUNK
    assert n % nw == 0 and rows_w % CHUNK == 0
    assert nch % NBUF == 0 and nch >= 2 * NBUF

    mesh = plsc.VectorSubcoreMesh(core_axis_name="c", subcore_axis_name="s")

    @functools.partial(
        pl.kernel,
        mesh=mesh,
        compiler_params=pltpu.CompilerParams(use_tc_tiling_on_sc=False),
        out_type=jax.ShapeDtypeStruct((n, D_MODEL), jnp.float32),
        scratch_types=(
            [pltpu.VMEM((nch, CHUNK), jnp.int32)]
            + [pltpu.VMEM((CHUNK, D_MODEL), jnp.float32)
               for _ in range(NBUF)]
            + [pltpu.SemaphoreType.DMA for _ in range(2 * NBUF)]
        ),
    )
    def kern(idx_hbm, table_hbm, out_hbm, idx_v, *rest):
        bufs = rest[:NBUF]
        gsem = rest[NBUF:2 * NBUF]
        ssem = rest[2 * NBUF:]
        wid = lax.axis_index("s") * nc + lax.axis_index("c")

        pltpu.sync_copy(idx_hbm.at[wid], idx_v)

        def start_gather(k, b):
            pltpu.async_copy(table_hbm.at[idx_v.at[k]], bufs[b], gsem[b])

        def wait_gather(k, b):
            pltpu.make_async_copy(table_hbm.at[idx_v.at[k]], bufs[b],
                                  gsem[b]).wait()

        def _src_dst(k, b):
            dst = out_hbm.at[pl.ds(wid * rows_w + k * CHUNK, CHUNK)]
            return bufs[b], dst

        def start_scatter(k, b):
            src, dst = _src_dst(k, b)
            pltpu.async_copy(src, dst, ssem[b])

        def wait_scatter(k, b):
            src, dst = _src_dst(k, b)
            pltpu.make_async_copy(src, dst, ssem[b]).wait()

        for b in range(NBUF):
            start_gather(b, b)

        def outer(i, carry):
            for b in range(NBUF):
                k = i * NBUF + b
                wait_gather(k, b)
                start_scatter(k, b)
                kp = k + NBUF - 1
                bp = (b - 1) % NBUF

                @pl.when((k >= 1) & (kp < nch))
                def _():
                    wait_scatter(k - 1, bp)
                    start_gather(kp, bp)
            return carry

        lax.fori_loop(0, nch // NBUF, outer, 0)

        for b in range(NBUF):
            wait_scatter(nch - NBUF + b, b)

    return kern, nw, nch


def _tc_body(g_ref, pe_ref, out_ref):
    g = g_ref[...]
    scale = jnp.float32(math.sqrt(D_MODEL))
    out_ref[...] = g * scale + pe_ref[...][None, :, :]


@functools.cache
def _build_finish(B, S):
    return pl.pallas_call(
        _tc_body,
        grid=(B // B_BLK,),
        in_specs=[
            pl.BlockSpec((B_BLK, S, D_MODEL), lambda i: (i, 0, 0)),
            pl.BlockSpec((S, D_MODEL), lambda i: (0, 0)),
        ],
        out_specs=pl.BlockSpec((B_BLK, S, D_MODEL), lambda i: (i, 0, 0)),
        out_shape=jax.ShapeDtypeStruct((B, S, D_MODEL), jnp.float32),
    )


def kernel(x, table, pe):
    B, S = x.shape
    V, D = table.shape
    kern, nw, nch = _build_gather(B, S, V)
    idx = x.astype(jnp.int32).reshape(nw, nch, CHUNK)
    g = kern(idx, table)
    pe2 = pe[:S, 0, :]
    return _build_finish(B, S)(g.reshape(B, S, D), pe2)

# --- scband reference (transcript-rebuilt; emitter-appended) ---
"""Pipeline reference for scband-embeddings-with-learned-positional-encoding-9002251452893 (READ-ONLY COPY).

The authoritative reference and input builder live on the scoring server;
editing this copy changes nothing except your own understanding.
"""

import math
import jax, jax.numpy as jnp
import numpy as np

D_MODEL = 64
N_VOCAB = 1000000
MAX_LEN = 5000

def setup_inputs(seed: int = 0) -> dict:
    key = jax.random.key(seed)
    k1, k2 = jax.random.split(key, 2)
    x = jax.random.randint(k1, (1024, 200), 0, N_VOCAB, dtype=jnp.int64 if jax.config.jax_enable_x64 else jnp.int32)
    table = jax.random.normal(k2, (N_VOCAB, D_MODEL), dtype=jnp.float32)
    pe = jnp.zeros((MAX_LEN, 1, D_MODEL), dtype=jnp.float32)
    return {"x": x, "table": table, "pe": pe}

def reference(x, table, pe):
    # x: [batch, seq_len] -> permute to [seq_len, batch]
    xt = jnp.transpose(x, (1, 0))
    # embedding lookup -> [seq_len, batch, d_model]
    embed = jnp.take(table, xt, axis=0)
    # learned positional encodings sliced to seq_len, broadcast over batch
    p = pe[: xt.shape[0]]
    out = embed * math.sqrt(D_MODEL) + p
    # permute back to [batch, seq_len, d_model]
    out = jnp.transpose(out, (1, 0, 2))
    return out

if __name__ == "__main__":
    import jax
    _d = setup_inputs()
    print(jax.jit(kernel)(*tuple(_d.values())))

</pallas_src>

<mosaic_0001>
#map = affine_map<(d0, d1) -> (0, 0, 0)>
#map1 = affine_map<(d0, d1) -> (0, 0)>
module attributes {stable_mosaic.version = 14 : i64} {
  func.func @kern(%arg0: i32, %arg1: i32, %arg2: memref<32x100x64xi32, #tpu.memory_space<hbm>>, %arg3: memref<1000000x64xf32, #tpu.memory_space<hbm>>, %arg4: memref<204800x64xf32, #tpu.memory_space<hbm>>, %arg5: memref<100x64xi32, #tpu.memory_space<vmem>>, %arg6: memref<64x64xf32, #tpu.memory_space<vmem>>, %arg7: memref<64x64xf32, #tpu.memory_space<vmem>>, %arg8: memref<64x64xf32, #tpu.memory_space<vmem>>, %arg9: memref<64x64xf32, #tpu.memory_space<vmem>>, %arg10: memref<!tpu.dma_semaphore, #tpu.memory_space<semaphore_mem>>, %arg11: memref<!tpu.dma_semaphore, #tpu.memory_space<semaphore_mem>>, %arg12: memref<!tpu.dma_semaphore, #tpu.memory_space<semaphore_mem>>, %arg13: memref<!tpu.dma_semaphore, #tpu.memory_space<semaphore_mem>>, %arg14: memref<!tpu.dma_semaphore, #tpu.memory_space<semaphore_mem>>, %arg15: memref<!tpu.dma_semaphore, #tpu.memory_space<semaphore_mem>>, %arg16: memref<!tpu.dma_semaphore, #tpu.memory_space<semaphore_mem>>, %arg17: memref<!tpu.dma_semaphore, #tpu.memory_space<semaphore_mem>>) attributes {dimension_semantics = [#tpu.dimension_semantics<core_parallel>, #tpu.dimension_semantics<subcore_parallel>], iteration_bounds = array<i64: 2, 16>, scalar_prefetch = 0 : i64, scratch_operands = 13 : i64, tpu.core_type = #tpu.core_type<sc_vector_subcore>, window_params = [{transform_indices = #map}, {transform_indices = #map1}, {transform_indices = #map1}]} {
    %mul3A = arith.constant 2 : i32
    %mul3A_0 = arith.muli %arg1, %mul3A : i32
    %add3A = arith.addi %mul3A_0, %arg0 : i32
    "tpu.region"() ({
      %run_scoped3A = tpu.sem_alloc : memref<!tpu.dma_semaphore, #tpu.memory_space<semaphore_mem>>
      %dma_start3A_64 = arith.constant 0 : i32
      %dma_start3A_65 = arith.constant 0 : i32
      %dma_start3A_66 = tpu.memref_slice %arg2[%add3A, %dma_start3A_64, %dma_start3A_65] : memref<32x100x64xi32, #tpu.memory_space<hbm>> -> memref<1x100x64xi32, #tpu.memory_space<hbm>>
      %dma_start3A_67 = tpu.memref_squeeze %dma_start3A_66 : memref<1x100x64xi32, #tpu.memory_space<hbm>> -> memref<100x64xi32, #tpu.memory_space<hbm>>
      %dma_start3A_68 = arith.constant 0 : i32
      %dma_start3A_69 = arith.constant 0 : i32
      %dma_start3A_70 = tpu.memref_slice %arg2[%add3A, %dma_start3A_68, %dma_start3A_69] : memref<32x100x64xi32, #tpu.memory_space<hbm>> -> memref<1x100x64xi32, #tpu.memory_space<hbm>>
      %dma_start3A_71 = tpu.memref_squeeze %dma_start3A_70 : memref<1x100x64xi32, #tpu.memory_space<hbm>> -> memref<100x64xi32, #tpu.memory_space<hbm>>
      tpu.enqueue_dma source(%dma_start3A_71 : memref<100x64xi32, #tpu.memory_space<hbm>>) target(%arg5 : memref<100x64xi32, #tpu.memory_space<vmem>>) target_semaphore(%run_scoped3A : memref<!tpu.dma_semaphore, #tpu.memory_space<semaphore_mem>>)
      %dma_wait3A_72 = arith.constant 0 : i32
      %dma_wait3A_73 = arith.constant 0 : i32
      %dma_wait3A_74 = tpu.memref_slice %arg2[%add3A, %dma_wait3A_72, %dma_wait3A_73] : memref<32x100x64xi32, #tpu.memory_space<hbm>> -> memref<1x100x64xi32, #tpu.memory_space<hbm>>
      %dma_wait3A_75 = tpu.memref_squeeze %dma_wait3A_74 : memref<1x100x64xi32, #tpu.memory_space<hbm>> -> memref<100x64xi32, #tpu.memory_space<hbm>>
      %dma_wait3A_76 = arith.constant 0 : i32
      %dma_wait3A_77 = arith.constant 0 : i32
      %dma_wait3A_78 = tpu.memref_slice %arg2[%add3A, %dma_wait3A_76, %dma_wait3A_77] : memref<32x100x64xi32, #tpu.memory_space<hbm>> -> memref<1x100x64xi32, #tpu.memory_space<hbm>>
      %dma_wait3A_79 = tpu.memref_squeeze %dma_wait3A_78 : memref<1x100x64xi32, #tpu.memory_space<hbm>> -> memref<100x64xi32, #tpu.memory_space<hbm>>
      tpu.wait_dma2 semaphore(%run_scoped3A : memref<!tpu.dma_semaphore, #tpu.memory_space<semaphore_mem>>) src(%dma_wait3A_79 : memref<100x64xi32, #tpu.memory_space<hbm>>) dst(%arg5 : memref<100x64xi32, #tpu.memory_space<vmem>>)
      tpu.yield
    }) : () -> ()
    %dma_start3A = arith.constant 0 : i32
    %dma_start3A_1 = arith.constant 0 : i32
    %dma_start3A_2 = tpu.memref_slice %arg5[%dma_start3A, %dma_start3A_1] : memref<100x64xi32, #tpu.memory_space<vmem>> -> memref<1x64xi32, #tpu.memory_space<vmem>>
    %dma_start3A_3 = tpu.memref_squeeze %dma_start3A_2 : memref<1x64xi32, #tpu.memory_space<vmem>> -> memref<64xi32, #tpu.memory_space<vmem>>
    %dma_start3A_4 = arith.constant 0 : i32
    %dma_start3A_5 = arith.constant 0 : i32
    %dma_start3A_6 = tpu.memref_slice %arg3[%dma_start3A_4, %dma_start3A_5] : memref<1000000x64xf32, #tpu.memory_space<hbm>> -> memref<1000000x64xf32, #tpu.memory_space<hbm>>
    tpu.enqueue_indirect_dma source(%dma_start3A_6 : memref<1000000x64xf32, #tpu.memory_space<hbm>>) target(%arg6 : memref<64x64xf32, #tpu.memory_space<vmem>>) offsets(%dma_start3A_3 : memref<64xi32, #tpu.memory_space<vmem>>) semaphore(%arg10 : memref<!tpu.dma_semaphore, #tpu.memory_space<semaphore_mem>>)
    %dma_start3A_7 = arith.constant 1 : i32
    %dma_start3A_8 = arith.constant 0 : i32
    %dma_start3A_9 = tpu.memref_slice %arg5[%dma_start3A_7, %dma_start3A_8] : memref<100x64xi32, #tpu.memory_space<vmem>> -> memref<1x64xi32, #tpu.memory_space<vmem>>
    %dma_start3A_10 = tpu.memref_squeeze %dma_start3A_9 : memref<1x64xi32, #tpu.memory_space<vmem>> -> memref<64xi32, #tpu.memory_space<vmem>>
    %dma_start3A_11 = arith.constant 0 : i32
    %dma_start3A_12 = arith.constant 0 : i32
    %dma_start3A_13 = tpu.memref_slice %arg3[%dma_start3A_11, %dma_start3A_12] : memref<1000000x64xf32, #tpu.memory_space<hbm>> -> memref<1000000x64xf32, #tpu.memory_space<hbm>>
    tpu.enqueue_indirect_dma source(%dma_start3A_13 : memref<1000000x64xf32, #tpu.memory_space<hbm>>) target(%arg7 : memref<64x64xf32, #tpu.memory_space<vmem>>) offsets(%dma_start3A_10 : memref<64xi32, #tpu.memory_space<vmem>>) semaphore(%arg11 : memref<!tpu.dma_semaphore, #tpu.memory_space<semaphore_mem>>)
    %dma_start3A_14 = arith.constant 2 : i32
    %dma_start3A_15 = arith.constant 0 : i32
    %dma_start3A_16 = tpu.memref_slice %arg5[%dma_start3A_14, %dma_start3A_15] : memref<100x64xi32, #tpu.memory_space<vmem>> -> memref<1x64xi32, #tpu.memory_space<vmem>>
    %dma_start3A_17 = tpu.memref_squeeze %dma_start3A_16 : memref<1x64xi32, #tpu.memory_space<vmem>> -> memref<64xi32, #tpu.memory_space<vmem>>
    %dma_start3A_18 = arith.constant 0 : i32
    %dma_start3A_19 = arith.constant 0 : i32
    %dma_start3A_20 = tpu.memref_slice %arg3[%dma_start3A_18, %dma_start3A_19] : memref<1000000x64xf32, #tpu.memory_space<hbm>> -> memref<1000000x64xf32, #tpu.memory_space<hbm>>
    tpu.enqueue_indirect_dma source(%dma_start3A_20 : memref<1000000x64xf32, #tpu.memory_space<hbm>>) target(%arg8 : memref<64x64xf32, #tpu.memory_space<vmem>>) offsets(%dma_start3A_17 : memref<64xi32, #tpu.memory_space<vmem>>) semaphore(%arg12 : memref<!tpu.dma_semaphore, #tpu.memory_space<semaphore_mem>>)
    %dma_start3A_21 = arith.constant 3 : i32
    %dma_start3A_22 = arith.constant 0 : i32
    %dma_start3A_23 = tpu.memref_slice %arg5[%dma_start3A_21, %dma_start3A_22] : memref<100x64xi32, #tpu.memory_space<vmem>> -> memref<1x64xi32, #tpu.memory_space<vmem>>
    %dma_start3A_24 = tpu.memref_squeeze %dma_start3A_23 : memref<1x64xi32, #tpu.memory_space<vmem>> -> memref<64xi32, #tpu.memory_space<vmem>>
    %dma_start3A_25 = arith.constant 0 : i32
    %dma_start3A_26 = arith.constant 0 : i32
    %dma_start3A_27 = tpu.memref_slice %arg3[%dma_start3A_25, %dma_start3A_26] : memref<1000000x64xf32, #tpu.memory_space<hbm>> -> memref<1000000x64xf32, #tpu.memory_space<hbm>>
    tpu.enqueue_indirect_dma source(%dma_start3A_27 : memref<1000000x64xf32, #tpu.memory_space<hbm>>) target(%arg9 : memref<64x64xf32, #tpu.memory_space<vmem>>) offsets(%dma_start3A_24 : memref<64xi32, #tpu.memory_space<vmem>>) semaphore(%arg13 : memref<!tpu.dma_semaphore, #tpu.memory_space<semaphore_mem>>)
    %scan3A = arith.constant 0 : i32
    %scan3A_28 = arith.constant 0 : i32
    %scan3A_29 = arith.constant 25 : i32
    %scan3A_30 = arith.addi %scan3A_28, %scan3A_29 : i32
    %scan3A_31 = arith.constant 1 : i32
    scf.for %scan3A_64 = %scan3A_28 to %scan3A_30 step %scan3A_31  : i32 {
      %mul3A_65 = arith.constant 4 : i32
      %mul3A_66 = arith.muli %scan3A_64, %mul3A_65 : i32
      %add3A_67 = arith.constant 0 : i32
      %add3A_68 = arith.addi %mul3A_66, %add3A_67 : i32
      %dma_wait3A_69 = arith.constant 0 : i32
      %dma_wait3A_70 = tpu.memref_slice %arg5[%add3A_68, %dma_wait3A_69] : memref<100x64xi32, #tpu.memory_space<vmem>> -> memref<1x64xi32, #tpu.memory_space<vmem>>
      %dma_wait3A_71 = tpu.memref_squeeze %dma_wait3A_70 : memref<1x64xi32, #tpu.memory_space<vmem>> -> memref<64xi32, #tpu.memory_space<vmem>>
      %dma_wait3A_72 = arith.constant 0 : i32
      %dma_wait3A_73 = arith.constant 0 : i32
      %dma_wait3A_74 = tpu.memref_slice %arg3[%dma_wait3A_72, %dma_wait3A_73] : memref<1000000x64xf32, #tpu.memory_space<hbm>> -> memref<1000000x64xf32, #tpu.memory_space<hbm>>
      tpu.wait_indirect_dma semaphore(%arg10 : memref<!tpu.dma_semaphore, #tpu.memory_space<semaphore_mem>>) src(%dma_wait3A_74 : memref<1000000x64xf32, #tpu.memory_space<hbm>>) dst(%arg6 : memref<64x64xf32, #tpu.memory_space<vmem>>)
      %mul3A_75 = arith.constant 6400 : i32
      %mul3A_76 = arith.muli %add3A, %mul3A_75 : i32
      %mul3A_77 = arith.constant 64 : i32
      %mul3A_78 = arith.muli %add3A_68, %mul3A_77 : i32
      %add3A_79 = arith.addi %mul3A_76, %mul3A_78 : i32
      %dma_start3A_80 = arith.constant 0 : i32
      %dma_start3A_81 = tpu.memref_slice %arg4[%add3A_79, %dma_start3A_80] : memref<204800x64xf32, #tpu.memory_space<hbm>> -> memref<64x64xf32, #tpu.memory_space<hbm>>
      %dma_start3A_82 = arith.constant 0 : i32
      %dma_start3A_83 = tpu.memref_slice %arg4[%add3A_79, %dma_start3A_82] : memref<204800x64xf32, #tpu.memory_space<hbm>> -> memref<64x64xf32, #tpu.memory_space<hbm>>
      tpu.enqueue_dma source(%arg6 : memref<64x64xf32, #tpu.memory_space<vmem>>) target(%dma_start3A_83 : memref<64x64xf32, #tpu.memory_space<hbm>>) target_semaphore(%arg14 : memref<!tpu.dma_semaphore, #tpu.memory_space<semaphore_mem>>)
      %add3A_84 = arith.constant 4 : i32
      %add3A_85 = arith.addi %add3A_68, %add3A_84 : i32
      %sub3A = arith.constant 1 : i32
      %sub3A_86 = arith.subi %add3A_85, %sub3A : i32
      %ge3A = arith.constant 1 : i32
      %ge3A_87 = arith.cmpi sge, %add3A_68, %ge3A : i32
      %lt3A = arith.constant 100 : i32
      %lt3A_88 = arith.cmpi slt, %sub3A_86, %lt3A : i32
      %and3A = arith.andi %ge3A_87, %lt3A_88 : i1
      %convert_element_type3A = arith.extui %and3A : i1 to i32
      %cond3A = arith.constant 0 : i32
      %cond3A_89 = arith.cmpi ne, %convert_element_type3A, %cond3A : i32
      scf.if %cond3A_89 {
        %sub3A_183 = arith.constant 1 : i32
        %sub3A_184 = arith.subi %add3A_68, %sub3A_183 : i32
        %mul3A_185 = arith.constant 6400 : i32
        %mul3A_186 = arith.muli %add3A, %mul3A_185 : i32
        %mul3A_187 = arith.constant 64 : i32
        %mul3A_188 = arith.muli %sub3A_184, %mul3A_187 : i32
        %add3A_189 = arith.addi %mul3A_186, %mul3A_188 : i32
        %dma_wait3A_190 = arith.constant 0 : i32
        %dma_wait3A_191 = tpu.memref_slice %arg4[%add3A_189, %dma_wait3A_190] : memref<204800x64xf32, #tpu.memory_space<hbm>> -> memref<64x64xf32, #tpu.memory_space<hbm>>
        %dma_wait3A_192 = arith.constant 0 : i32
        %dma_wait3A_193 = tpu.memref_slice %arg4[%add3A_189, %dma_wait3A_192] : memref<204800x64xf32, #tpu.memory_space<hbm>> -> memref<64x64xf32, #tpu.memory_space<hbm>>
        tpu.wait_dma2 semaphore(%arg17 : memref<!tpu.dma_semaphore, #tpu.memory_space<semaphore_mem>>) src(%arg9 : memref<64x64xf32, #tpu.memory_space<vmem>>) dst(%dma_wait3A_193 : memref<64x64xf32, #tpu.memory_space<hbm>>)
        %dma_start3A_194 = arith.constant 0 : i32
        %dma_start3A_195 = tpu.memref_slice %arg5[%sub3A_86, %dma_start3A_194] : memref<100x64xi32, #tpu.memory_space<vmem>> -> memref<1x64xi32, #tpu.memory_space<vmem>>
        %dma_start3A_196 = tpu.memref_squeeze %dma_start3A_195 : memref<1x64xi32, #tpu.memory_space<vmem>> -> memref<64xi32, #tpu.memory_space<vmem>>
        %dma_start3A_197 = arith.constant 0 : i32
        %dma_start3A_198 = arith.constant 0 : i32
        %dma_start3A_199 = tpu.memref_slice %arg3[%dma_start3A_197, %dma_start3A_198] : memref<1000000x64xf32, #tpu.memory_space<hbm>> -> memref<1000000x64xf32, #tpu.memory_space<hbm>>
        tpu.enqueue_indirect_dma source(%dma_start3A_199 : memref<1000000x64xf32, #tpu.memory_space<hbm>>) target(%arg9 : memref<64x64xf32, #tpu.memory_space<vmem>>) offsets(%dma_start3A_196 : memref<64xi32, #tpu.memory_space<vmem>>) semaphore(%arg13 : memref<!tpu.dma_semaphore, #tpu.memory_space<semaphore_mem>>)
      } else {
      }
      %mul3A_90 = arith.constant 4 : i32
      %mul3A_91 = arith.muli %scan3A_64, %mul3A_90 : i32
      %add3A_92 = arith.constant 1 : i32
      %add3A_93 = arith.addi %mul3A_91, %add3A_92 : i32
      %dma_wait3A_94 = arith.constant 0 : i32
      %dma_wait3A_95 = tpu.memref_slice %arg5[%add3A_93, %dma_wait3A_94] : memref<100x64xi32, #tpu.memory_space<vmem>> -> memref<1x64xi32, #tpu.memory_space<vmem>>
      %dma_wait3A_96 = tpu.memref_squeeze %dma_wait3A_95 : memref<1x64xi32, #tpu.memory_space<vmem>> -> memref<64xi32, #tpu.memory_space<vmem>>
      %dma_wait3A_97 = arith.constant 0 : i32
      %dma_wait3A_98 = arith.constant 0 : i32
      %dma_wait3A_99 = tpu.memref_slice %arg3[%dma_wait3A_97, %dma_wait3A_98] : memref<1000000x64xf32, #tpu.memory_space<hbm>> -> memref<1000000x64xf32, #tpu.memory_space<hbm>>
      tpu.wait_indirect_dma semaphore(%arg11 : memref<!tpu.dma_semaphore, #tpu.memory_space<semaphore_mem>>) src(%dma_wait3A_99 : memref<1000000x64xf32, #tpu.memory_space<hbm>>) dst(%arg7 : memref<64x64xf32, #tpu.memory_space<vmem>>)
      %mul3A_100 = arith.constant 6400 : i32
      %mul3A_101 = arith.muli %add3A, %mul3A_100 : i32
      %mul3A_102 = arith.constant 64 : i32
      %mul3A_103 = arith.muli %add3A_93, %mul3A_102 : i32
      %add3A_104 = arith.addi %mul3A_101, %mul3A_103 : i32
      %dma_start3A_105 = arith.constant 0 : i32
      %dma_start3A_106 = tpu.memref_slice %arg4[%add3A_104, %dma_start3A_105] : memref<204800x64xf32, #tpu.memory_space<hbm>> -> memref<64x64xf32, #tpu.memory_space<hbm>>
      %dma_start3A_107 = arith.constant 0 : i32
      %dma_start3A_108 = tpu.memref_slice %arg4[%add3A_104, %dma_start3A_107] : memref<204800x64xf32, #tpu.memory_space<hbm>> -> memref<64x64xf32, #tpu.memory_space<hbm>>
      tpu.enqueue_dma source(%arg7 : memref<64x64xf32, #tpu.memory_space<vmem>>) target(%dma_start3A_108 : memref<64x64xf32, #tpu.memory_space<hbm>>) target_semaphore(%arg15 : memref<!tpu.dma_semaphore, #tpu.memory_space<semaphore_mem>>)
      %add3A_109 = arith.constant 4 : i32
      %add3A_110 = arith.addi %add3A_93, %add3A_109 : i32
      %sub3A_111 = arith.constant 1 : i32
      %sub3A_112 = arith.subi %add3A_110, %sub3A_111 : i32
      %ge3A_113 = arith.constant 1 : i32
      %ge3A_114 = arith.cmpi sge, %add3A_93, %ge3A_113 : i32
      %lt3A_115 = arith.constant 100 : i32
      %lt3A_116 = arith.cmpi slt, %sub3A_112, %lt3A_115 : i32
      %and3A_117 = arith.andi %ge3A_114, %lt3A_116 : i1
      %convert_element_type3A_118 = arith.extui %and3A_117 : i1 to i32
      %cond3A_119 = arith.constant 0 : i32
      %cond3A_120 = arith.cmpi ne, %convert_element_type3A_118, %cond3A_119 : i32
      scf.if %cond3A_120 {
        %sub3A_183 = arith.constant 1 : i32
        %sub3A_184 = arith.subi %add3A_93, %sub3A_183 : i32
        %mul3A_185 = arith.constant 6400 : i32
        %mul3A_186 = arith.muli %add3A, %mul3A_185 : i32
        %mul3A_187 = arith.constant 64 : i32
        %mul3A_188 = arith.muli %sub3A_184, %mul3A_187 : i32
        %add3A_189 = arith.addi %mul3A_186, %mul3A_188 : i32
        %dma_wait3A_190 = arith.constant 0 : i32
        %dma_wait3A_191 = tpu.memref_slice %arg4[%add3A_189, %dma_wait3A_190] : memref<204800x64xf32, #tpu.memory_space<hbm>> -> memref<64x64xf32, #tpu.memory_space<hbm>>
        %dma_wait3A_192 = arith.constant 0 : i32
        %dma_wait3A_193 = tpu.memref_slice %arg4[%add3A_189, %dma_wait3A_192] : memref<204800x64xf32, #tpu.memory_space<hbm>> -> memref<64x64xf32, #tpu.memory_space<hbm>>
        tpu.wait_dma2 semaphore(%arg14 : memref<!tpu.dma_semaphore, #tpu.memory_space<semaphore_mem>>) src(%arg6 : memref<64x64xf32, #tpu.memory_space<vmem>>) dst(%dma_wait3A_193 : memref<64x64xf32, #tpu.memory_space<hbm>>)
        %dma_start3A_194 = arith.constant 0 : i32
        %dma_start3A_195 = tpu.memref_slice %arg5[%sub3A_112, %dma_start3A_194] : memref<100x64xi32, #tpu.memory_space<vmem>> -> memref<1x64xi32, #tpu.memory_space<vmem>>
        %dma_start3A_196 = tpu.memref_squeeze %dma_start3A_195 : memref<1x64xi32, #tpu.memory_space<vmem>> -> memref<64xi32, #tpu.memory_space<vmem>>
        %dma_start3A_197 = arith.constant 0 : i32
        %dma_start3A_198 = arith.constant 0 : i32
        %dma_start3A_199 = tpu.memref_slice %arg3[%dma_start3A_197, %dma_start3A_198] : memref<1000000x64xf32, #tpu.memory_space<hbm>> -> memref<1000000x64xf32, #tpu.memory_space<hbm>>
        tpu.enqueue_indirect_dma source(%dma_start3A_199 : memref<1000000x64xf32, #tpu.memory_space<hbm>>) target(%arg6 : memref<64x64xf32, #tpu.memory_space<vmem>>) offsets(%dma_start3A_196 : memref<64xi32, #tpu.memory_space<vmem>>) semaphore(%arg10 : memref<!tpu.dma_semaphore, #tpu.memory_space<semaphore_mem>>)
      } else {
      }
      %mul3A_121 = arith.constant 4 : i32
      %mul3A_122 = arith.muli %scan3A_64, %mul3A_121 : i32
      %add3A_123 = arith.constant 2 : i32
      %add3A_124 = arith.addi %mul3A_122, %add3A_123 : i32
      %dma_wait3A_125 = arith.constant 0 : i32
      %dma_wait3A_126 = tpu.memref_slice %arg5[%add3A_124, %dma_wait3A_125] : memref<100x64xi32, #tpu.memory_space<vmem>> -> memref<1x64xi32, #tpu.memory_space<vmem>>
      %dma_wait3A_127 = tpu.memref_squeeze %dma_wait3A_126 : memref<1x64xi32, #tpu.memory_space<vmem>> -> memref<64xi32, #tpu.memory_space<vmem>>
      %dma_wait3A_128 = arith.constant 0 : i32
      %dma_wait3A_129 = arith.constant 0 : i32
      %dma_wait3A_130 = tpu.memref_slice %arg3[%dma_wait3A_128, %dma_wait3A_129] : memref<1000000x64xf32, #tpu.memory_space<hbm>> -> memref<1000000x64xf32, #tpu.memory_space<hbm>>
      tpu.wait_indirect_dma semaphore(%arg12 : memref<!tpu.dma_semaphore, #tpu.memory_space<semaphore_mem>>) src(%dma_wait3A_130 : memref<1000000x64xf32, #tpu.memory_space<hbm>>) dst(%arg8 : memref<64x64xf32, #tpu.memory_space<vmem>>)
      %mul3A_131 = arith.constant 6400 : i32
      %mul3A_132 = arith.muli %add3A, %mul3A_131 : i32
      %mul3A_133 = arith.constant 64 : i32
      %mul3A_134 = arith.muli %add3A_124, %mul3A_133 : i32
      %add3A_135 = arith.addi %mul3A_132, %mul3A_134 : i32
      %dma_start3A_136 = arith.constant 0 : i32
      %dma_start3A_137 = tpu.memref_slice %arg4[%add3A_135, %dma_start3A_136] : memref<204800x64xf32, #tpu.memory_space<hbm>> -> memref<64x64xf32, #tpu.memory_space<hbm>>
      %dma_start3A_138 = arith.constant 0 : i32
      %dma_start3A_139 = tpu.memref_slice %arg4[%add3A_135, %dma_start3A_138] : memref<204800x64xf32, #tpu.memory_space<hbm>> -> memref<64x64xf32, #tpu.memory_space<hbm>>
      tpu.enqueue_dma source(%arg8 : memref<64x64xf32, #tpu.memory_space<vmem>>) target(%dma_start3A_139 : memref<64x64xf32, #tpu.memory_space<hbm>>) target_semaphore(%arg16 : memref<!tpu.dma_semaphore, #tpu.memory_space<semaphore_mem>>)
      %add3A_140 = arith.constant 4 : i32
      %add3A_141 = arith.addi %add3A_124, %add3A_140 : i32
      %sub3A_142 = arith.constant 1 : i32
      %sub3A_143 = arith.subi %add3A_141, %sub3A_142 : i32
      %ge3A_144 = arith.constant 1 : i32
      %ge3A_145 = arith.cmpi sge, %add3A_124, %ge3A_144 : i32
      %lt3A_146 = arith.constant 100 : i32
      %lt3A_147 = arith.cmpi slt, %sub3A_143, %lt3A_146 : i32
      %and3A_148 = arith.andi %ge3A_145, %lt3A_147 : i1
      %convert_element_type3A_149 = arith.extui %and3A_148 : i1 to i32
      %cond3A_150 = arith.constant 0 : i32
      %cond3A_151 = arith.cmpi ne, %convert_element_type3A_149, %cond3A_150 : i32
      scf.if %cond3A_151 {
        %sub3A_183 = arith.constant 1 : i32
        %sub3A_184 = arith.subi %add3A_124, %sub3A_183 : i32
        %mul3A_185 = arith.constant 6400 : i32
        %mul3A_186 = arith.muli %add3A, %mul3A_185 : i32
        %mul3A_187 = arith.constant 64 : i32
        %mul3A_188 = arith.muli %sub3A_184, %mul3A_187 : i32
        %add3A_189 = arith.addi %mul3A_186, %mul3A_188 : i32
        %dma_wait3A_190 = arith.constant 0 : i32
        %dma_wait3A_191 = tpu.memref_slice %arg4[%add3A_189, %dma_wait3A_190] : memref<204800x64xf32, #tpu.memory_space<hbm>> -> memref<64x64xf32, #tpu.memory_space<hbm>>
        %dma_wait3A_192 = arith.constant 0 : i32
        %dma_wait3A_193 = tpu.memref_slice %arg4[%add3A_189, %dma_wait3A_192] : memref<204800x64xf32, #tpu.memory_space<hbm>> -> memref<64x64xf32, #tpu.memory_space<hbm>>
        tpu.wait_dma2 semaphore(%arg15 : memref<!tpu.dma_semaphore, #tpu.memory_space<semaphore_mem>>) src(%arg7 : memref<64x64xf32, #tpu.memory_space<vmem>>) dst(%dma_wait3A_193 : memref<64x64xf32, #tpu.memory_space<hbm>>)
        %dma_start3A_194 = arith.constant 0 : i32
        %dma_start3A_195 = tpu.memref_slice %arg5[%sub3A_143, %dma_start3A_194] : memref<100x64xi32, #tpu.memory_space<vmem>> -> memref<1x64xi32, #tpu.memory_space<vmem>>
        %dma_start3A_196 = tpu.memref_squeeze %dma_start3A_195 : memref<1x64xi32, #tpu.memory_space<vmem>> -> memref<64xi32, #tpu.memory_space<vmem>>
        %dma_start3A_197 = arith.constant 0 : i32
        %dma_start3A_198 = arith.constant 0 : i32
        %dma_start3A_199 = tpu.memref_slice %arg3[%dma_start3A_197, %dma_start3A_198] : memref<1000000x64xf32, #tpu.memory_space<hbm>> -> memref<1000000x64xf32, #tpu.memory_space<hbm>>
        tpu.enqueue_indirect_dma source(%dma_start3A_199 : memref<1000000x64xf32, #tpu.memory_space<hbm>>) target(%arg7 : memref<64x64xf32, #tpu.memory_space<vmem>>) offsets(%dma_start3A_196 : memref<64xi32, #tpu.memory_space<vmem>>) semaphore(%arg11 : memref<!tpu.dma_semaphore, #tpu.memory_space<semaphore_mem>>)
      } else {
      }
      %mul3A_152 = arith.constant 4 : i32
      %mul3A_153 = arith.muli %scan3A_64, %mul3A_152 : i32
      %add3A_154 = arith.constant 3 : i32
      %add3A_155 = arith.addi %mul3A_153, %add3A_154 : i32
      %dma_wait3A_156 = arith.constant 0 : i32
      %dma_wait3A_157 = tpu.memref_slice %arg5[%add3A_155, %dma_wait3A_156] : memref<100x64xi32, #tpu.memory_space<vmem>> -> memref<1x64xi32, #tpu.memory_space<vmem>>
      %dma_wait3A_158 = tpu.memref_squeeze %dma_wait3A_157 : memref<1x64xi32, #tpu.memory_space<vmem>> -> memref<64xi32, #tpu.memory_space<vmem>>
      %dma_wait3A_159 = arith.constant 0 : i32
      %dma_wait3A_160 = arith.constant 0 : i32
      %dma_wait3A_161 = tpu.memref_slice %arg3[%dma_wait3A_159, %dma_wait3A_160] : memref<1000000x64xf32, #tpu.memory_space<hbm>> -> memref<1000000x64xf32, #tpu.memory_space<hbm>>
      tpu.wait_indirect_dma semaphore(%arg13 : memref<!tpu.dma_semaphore, #tpu.memory_space<semaphore_mem>>) src(%dma_wait3A_161 : memref<1000000x64xf32, #tpu.memory_space<hbm>>) dst(%arg9 : memref<64x64xf32, #tpu.memory_space<vmem>>)
      %mul3A_162 = arith.constant 6400 : i32
      %mul3A_163 = arith.muli %add3A, %mul3A_162 : i32
      %mul3A_164 = arith.constant 64 : i32
      %mul3A_165 = arith.muli %add3A_155, %mul3A_164 : i32
      %add3A_166 = arith.addi %mul3A_163, %mul3A_165 : i32
      %dma_start3A_167 = arith.constant 0 : i32
      %dma_start3A_168 = tpu.memref_slice %arg4[%add3A_166, %dma_start3A_167] : memref<204800x64xf32, #tpu.memory_space<hbm>> -> memref<64x64xf32, #tpu.memory_space<hbm>>
      %dma_start3A_169 = arith.constant 0 : i32
      %dma_start3A_170 = tpu.memref_slice %arg4[%add3A_166, %dma_start3A_169] : memref<204800x64xf32, #tpu.memory_space<hbm>> -> memref<64x64xf32, #tpu.memory_space<hbm>>
      tpu.enqueue_dma source(%arg9 : memref<64x64xf32, #tpu.memory_space<vmem>>) target(%dma_start3A_170 : memref<64x64xf32, #tpu.memory_space<hbm>>) target_semaphore(%arg17 : memref<!tpu.dma_semaphore, #tpu.memory_space<semaphore_mem>>)
      %add3A_171 = arith.constant 4 : i32
      %add3A_172 = arith.addi %add3A_155, %add3A_171 : i32
      %sub3A_173 = arith.constant 1 : i32
      %sub3A_174 = arith.subi %add3A_172, %sub3A_173 : i32
      %ge3A_175 = arith.constant 1 : i32
      %ge3A_176 = arith.cmpi sge, %add3A_155, %ge3A_175 : i32
      %lt3A_177 = arith.constant 100 : i32
      %lt3A_178 = arith.cmpi slt, %sub3A_174, %lt3A_177 : i32
      %and3A_179 = arith.andi %ge3A_176, %lt3A_178 : i1
      %convert_element_type3A_180 = arith.extui %and3A_179 : i1 to i32
      %cond3A_181 = arith.constant 0 : i32
      %cond3A_182 = arith.cmpi ne, %convert_element_type3A_180, %cond3A_181 : i32
      scf.if %cond3A_182 {
        %sub3A_183 = arith.constant 1 : i32
        %sub3A_184 = arith.subi %add3A_155, %sub3A_183 : i32
        %mul3A_185 = arith.constant 6400 : i32
        %mul3A_186 = arith.muli %add3A, %mul3A_185 : i32
        %mul3A_187 = arith.constant 64 : i32
        %mul3A_188 = arith.muli %sub3A_184, %mul3A_187 : i32
        %add3A_189 = arith.addi %mul3A_186, %mul3A_188 : i32
        %dma_wait3A_190 = arith.constant 0 : i32
        %dma_wait3A_191 = tpu.memref_slice %arg4[%add3A_189, %dma_wait3A_190] : memref<204800x64xf32, #tpu.memory_space<hbm>> -> memref<64x64xf32, #tpu.memory_space<hbm>>
        %dma_wait3A_192 = arith.constant 0 : i32
        %dma_wait3A_193 = tpu.memref_slice %arg4[%add3A_189, %dma_wait3A_192] : memref<204800x64xf32, #tpu.memory_space<hbm>> -> memref<64x64xf32, #tpu.memory_space<hbm>>
        tpu.wait_dma2 semaphore(%arg16 : memref<!tpu.dma_semaphore, #tpu.memory_space<semaphore_mem>>) src(%arg8 : memref<64x64xf32, #tpu.memory_space<vmem>>) dst(%dma_wait3A_193 : memref<64x64xf32, #tpu.memory_space<hbm>>)
        %dma_start3A_194 = arith.constant 0 : i32
        %dma_start3A_195 = tpu.memref_slice %arg5[%sub3A_174, %dma_start3A_194] : memref<100x64xi32, #tpu.memory_space<vmem>> -> memref<1x64xi32, #tpu.memory_space<vmem>>
        %dma_start3A_196 = tpu.memref_squeeze %dma_start3A_195 : memref<1x64xi32, #tpu.memory_space<vmem>> -> memref<64xi32, #tpu.memory_space<vmem>>
        %dma_start3A_197 = arith.constant 0 : i32
        %dma_start3A_198 = arith.constant 0 : i32
        %dma_start3A_199 = tpu.memref_slice %arg3[%dma_start3A_197, %dma_start3A_198] : memref<1000000x64xf32, #tpu.memory_space<hbm>> -> memref<1000000x64xf32, #tpu.memory_space<hbm>>
        tpu.enqueue_indirect_dma source(%dma_start3A_199 : memref<1000000x64xf32, #tpu.memory_space<hbm>>) target(%arg8 : memref<64x64xf32, #tpu.memory_space<vmem>>) offsets(%dma_start3A_196 : memref<64xi32, #tpu.memory_space<vmem>>) semaphore(%arg12 : memref<!tpu.dma_semaphore, #tpu.memory_space<semaphore_mem>>)
      } else {
      }
    }
    %scan3A_32 = arith.constant 25 : i32
    %mul3A_33 = arith.constant 6400 : i32
    %mul3A_34 = arith.muli %add3A, %mul3A_33 : i32
    %add3A_35 = arith.constant 6144 : i32
    %add3A_36 = arith.addi %mul3A_34, %add3A_35 : i32
    %dma_wait3A = arith.constant 0 : i32
    %dma_wait3A_37 = tpu.memref_slice %arg4[%add3A_36, %dma_wait3A] : memref<204800x64xf32, #tpu.memory_space<hbm>> -> memref<64x64xf32, #tpu.memory_space<hbm>>
    %dma_wait3A_38 = arith.constant 0 : i32
    %dma_wait3A_39 = tpu.memref_slice %arg4[%add3A_36, %dma_wait3A_38] : memref<204800x64xf32, #tpu.memory_space<hbm>> -> memref<64x64xf32, #tpu.memory_space<hbm>>
    tpu.wait_dma2 semaphore(%arg14 : memref<!tpu.dma_semaphore, #tpu.memory_space<semaphore_mem>>) src(%arg6 : memref<64x64xf32, #tpu.memory_space<vmem>>) dst(%dma_wait3A_39 : memref<64x64xf32, #tpu.memory_space<hbm>>)
    %mul3A_40 = arith.constant 6400 : i32
    %mul3A_41 = arith.muli %add3A, %mul3A_40 : i32
    %add3A_42 = arith.constant 6208 : i32
    %add3A_43 = arith.addi %mul3A_41, %add3A_42 : i32
    %dma_wait3A_44 = arith.constant 0 : i32
    %dma_wait3A_45 = tpu.memref_slice %arg4[%add3A_43, %dma_wait3A_44] : memref<204800x64xf32, #tpu.memory_space<hbm>> -> memref<64x64xf32, #tpu.memory_space<hbm>>
    %dma_wait3A_46 = arith.constant 0 : i32
    %dma_wait3A_47 = tpu.memref_slice %arg4[%add3A_43, %dma_wait3A_46] : memref<204800x64xf32, #tpu.memory_space<hbm>> -> memref<64x64xf32, #tpu.memory_space<hbm>>
    tpu.wait_dma2 semaphore(%arg15 : memref<!tpu.dma_semaphore, #tpu.memory_space<semaphore_mem>>) src(%arg7 : memref<64x64xf32, #tpu.memory_space<vmem>>) dst(%dma_wait3A_47 : memref<64x64xf32, #tpu.memory_space<hbm>>)
    %mul3A_48 = arith.constant 6400 : i32
    %mul3A_49 = arith.muli %add3A, %mul3A_48 : i32
    %add3A_50 = arith.constant 6272 : i32
    %add3A_51 = arith.addi %mul3A_49, %add3A_50 : i32
    %dma_wait3A_52 = arith.constant 0 : i32
    %dma_wait3A_53 = tpu.memref_slice %arg4[%add3A_51, %dma_wait3A_52] : memref<204800x64xf32, #tpu.memory_space<hbm>> -> memref<64x64xf32, #tpu.memory_space<hbm>>
    %dma_wait3A_54 = arith.constant 0 : i32
    %dma_wait3A_55 = tpu.memref_slice %arg4[%add3A_51, %dma_wait3A_54] : memref<204800x64xf32, #tpu.memory_space<hbm>> -> memref<64x64xf32, #tpu.memory_space<hbm>>
    tpu.wait_dma2 semaphore(%arg16 : memref<!tpu.dma_semaphore, #tpu.memory_space<semaphore_mem>>) src(%arg8 : memref<64x64xf32, #tpu.memory_space<vmem>>) dst(%dma_wait3A_55 : memref<64x64xf32, #tpu.memory_space<hbm>>)
    %mul3A_56 = arith.constant 6400 : i32
    %mul3A_57 = arith.muli %add3A, %mul3A_56 : i32
    %add3A_58 = arith.constant 6336 : i32
    %add3A_59 = arith.addi %mul3A_57, %add3A_58 : i32
    %dma_wait3A_60 = arith.constant 0 : i32
    %dma_wait3A_61 = tpu.memref_slice %arg4[%add3A_59, %dma_wait3A_60] : memref<204800x64xf32, #tpu.memory_space<hbm>> -> memref<64x64xf32, #tpu.memory_space<hbm>>
    %dma_wait3A_62 = arith.constant 0 : i32
    %dma_wait3A_63 = tpu.memref_slice %arg4[%add3A_59, %dma_wait3A_62] : memref<204800x64xf32, #tpu.memory_space<hbm>> -> memref<64x64xf32, #tpu.memory_space<hbm>>
    tpu.wait_dma2 semaphore(%arg17 : memref<!tpu.dma_semaphore, #tpu.memory_space<semaphore_mem>>) src(%arg9 : memref<64x64xf32, #tpu.memory_space<vmem>>) dst(%dma_wait3A_63 : memref<64x64xf32, #tpu.memory_space<hbm>>)
    return
  }
}

module attributes {stable_mosaic.version = 14 : i64} {
  func.func @_tc_body(%arg0: i32, %arg1: memref<64x200x64xf32, #tpu.memory_space<vmem>>, %arg2: memref<200x64xf32, #tpu.memory_space<vmem>>, %arg3: memref<64x200x64xf32, #tpu.memory_space<vmem>>) attributes {dimension_semantics = [#tpu.dimension_semantics<arbitrary>], iteration_bounds = array<i64: 16>, scalar_prefetch = 0 : i64, scratch_operands = 0 : i64, tpu.core_type = #tpu.core_type<tc>, window_params = [{transform_indices = @transform_0, window_bounds = array<i64: 64, 200, 64>}, {pipeline_mode = #tpu.pipeline_mode<synchronous>, transform_indices = @transform_1, window_bounds = array<i64: 200, 64>}, {transform_indices = @transform_2, window_bounds = array<i64: 64, 200, 64>}]} {
    %get3A = arith.constant 0 : index
    %get3A_0 = arith.constant 0 : index
    %get3A_1 = arith.constant 0 : index
    %get3A_2 = vector.load %arg1[%get3A, %get3A_0, %get3A_1] : memref<64x200x64xf32, #tpu.memory_space<vmem>>, vector<64x200x64xf32>
    %mul3A = arith.constant 8.000000e+00 : f32
    %mul3A_3 = vector.broadcast %mul3A : f32 to vector<64x200x64xf32>
    %mul3A_4 = arith.mulf %get3A_2, %mul3A_3 : vector<64x200x64xf32>
    %get3A_5 = arith.constant 0 : index
    %get3A_6 = arith.constant 0 : index
    %get3A_7 = vector.load %arg2[%get3A_5, %get3A_6] : memref<200x64xf32, #tpu.memory_space<vmem>>, vector<200x64xf32>
    %broadcast_in_dim3A = vector.shape_cast %get3A_7 : vector<200x64xf32> to vector<1x200x64xf32>
    %add3A = vector.broadcast %broadcast_in_dim3A : vector<1x200x64xf32> to vector<64x200x64xf32>
    %add3A_8 = arith.addf %mul3A_4, %add3A : vector<64x200x64xf32>
    %swap3A = arith.constant 0 : index
    %swap3A_9 = arith.constant 0 : index
    %swap3A_10 = arith.constant 0 : index
    %swap3A_11 = vector.load %arg3[%swap3A, %swap3A_9, %swap3A_10] : memref<64x200x64xf32, #tpu.memory_space<vmem>>, vector<64x200x64xf32>
    tpu.vector_store %arg3[%swap3A, %swap3A_9, %swap3A_10], %add3A_8 {strides = array<i32>} : memref<64x200x64xf32, #tpu.memory_space<vmem>>, vector<64x200x64xf32>,
    return
  }
  func.func @transform_0(%arg0: i32) -> (i32, i32, i32) {
    %c0_i32 = arith.constant 0 : i32
    %c0_i32_0 = arith.constant 0 : i32
    %c0_i32_1 = arith.constant 0 : i32
    return %arg0, %c0_i32, %c0_i32_0 : i32, i32, i32
  }
  func.func @transform_1(%arg0: i32) -> (i32, i32) {
    %c0_i32 = arith.constant 0 : i32
    %c0_i32_0 = arith.constant 0 : i32
    %c0_i32_1 = arith.constant 0 : i32
    return %c0_i32, %c0_i32_0 : i32, i32
  }
  func.func @transform_2(%arg0: i32) -> (i32, i32, i32) {
    %c0_i32 = arith.constant 0 : i32
    %c0_i32_0 = arith.constant 0 : i32
    %c0_i32_1 = arith.constant 0 : i32
    return %arg0, %c0_i32, %c0_i32_0 : i32, i32, i32
  }
}

</mosaic_0001>

<sc_bundles>
// kernel: kernel.4.cloned.1.call-start
scs
__scs_entry_jumppad:
0x0: {  	(pc) =	sbr.rel $0x88, $3  }
0x1: {  	(tag) =	ssettag $0x0;
	lr =	simm.s32 $0x1  }
0x2: {  	[smem:$0x3F9E] =	sst lr;
	_ =	strace $0xD0000000  }
0x3: {  	_ = 	snop  }
0x4: {  	_ = 	snop  }
0x5: {  	_ = 	snop  }
0x6: {  	_ = 	snop  }
0x7: {  	_ = 	snop  }
__scs_overlays_trampoline_lowered:
0x8: {  	[smem:$0x3FAD] =	sst s0  }
0x9: {  	[smem:$0x3FAE] =	sst s1  }
0xa: {  	[smem:$0x3FAF] =	sst s2  }
0xb: {  	[smem:$0x3FB0] =	sst s3  }
0xc: {  	[smem:$0x3FB1] =	sst s4  }
0xd: {  	[smem:$0x3FB2] =	sst s5  }
0xe: {  	[smem:$0x3FB3] =	sst s6  }
0xf: {  	[smem:$0x3FB4] =	sst s7  }
0x10: {  	[smem:$0x3FB5] =	sst s8  }
0x11: {  	[smem:$0x3FB6] =	sst s9;
	s0 =	simm.s32 @!p0 $0x0  }
0x12: {  	s1 =	sld [smem:$0x3F9C];
	s0 =	simm.s32 @p0 $0x1  }
0x13: {  	[smem:$0x3FB7] =	sst s0;
	s0 =	simm.s32 @!p1 $0x0  }
0x14: {  	s2 =	sld [smem:$0x3F9B];
	s0 =	simm.s32 @p1 $0x1  }
0x15: {  	[smem:$0x3FB8] =	sst s0;
	s0 =	simm.s32 @!p2 $0x0  }
0x16: {  	s3 =	sld [smem:$0x3FDB];
	s0 =	simm.s32 @p2 $0x1  }
0x17: {  	s4 =	simm.s32 $0x1BF5;
	[smem:$0x3FBA] =	sst s0  }
0x18: {  	s0 =	sld [smem:$0x3F9D];
	_ =	swait.ge [sflag:s4], $0x0  }
0x19: {  	s7 =	sld [smem:$0x3F9E]  }
0x1a: {  	s8 =	sadd.s32 $0xFFFFE003, lr  }
0x1b: {  	s9 =	sadd.s32 $0xFFFFFEF7, lr;
	s5 =	simm.s32 $0xFFFFFFFF;
	p2 =	slt.u32 s8, $0xFFFFF086  }
0x1c: {  	p1 =	slt.u32 s9, $0xF7A;
	s5 =	simm.s32 @!p2 $0x0  }
0x1d: {  	s5 =	simm.s32 @p1 $0x1;
	p0 =	seq.s32 s7, s2  }
0x1e: {  	s7 =	smul.u32 @!p0 $0xF7A, s2;
	p2 =	seq.s32 @!p0 s5, $0x0  }
0x1f: {  	s9 =	smul.u32 $0xF7A, s1;
	s8 =	simm.s32 @!p0 $0x1BF5;
	p2 =	por !p2, p0  }
0x20: {  	[sflag:s8] =	ssyncset.s32 @!p0 $0xFFFFF086;
	s6 =	sadd.s32 @!p0 s3, s7;
	s7 =	simm.s32 @!p0 $0x108  }
0x21: {  	s3 =	sadd.s32 s3, s9;
	s6 =	sadd.s32 @!p0 $0x88, s6;
	s7 =	simm.s32 @p2 $0x1082  }
0x22: {  	[simem:s7], [sflag:s8] =	dma.local @!p0 [hbm:s6], $0xF7A  }
0x23: {  	s9 =	sor.u32 $0xD0000000, s2;
	s6 =	simm.s32 $0x108;
	_ =	swait.ge @!p0 [sflag:s8], $0x0  }
0x24: {  	s3 =	sadd.s32 $0x88, s3;
	s6 =	simm.s32 @!p1 $0x1082;
	[sflag:s4] =	ssyncset.s32 $0xFFFFF086  }
0x25: {  	[simem:s6], [sflag:s4] =	dma.local [hbm:s3], $0xF7A  }
0x26: {  	[smem:$0x3F9E] =	sst s1;
	(tag) =	ssettag s2;
	_ =	strace s9  }
0x27: {  	s1 =	sld [smem:$0x3FAE]  }
0x28: {  	s2 =	sld [smem:$0x3FAF]  }
0x29: {  	s4 =	sld [smem:$0x3FB1]  }
0x2a: {  	p0 =	seq.s32 s5, $0x0;
	s5 =	sld [smem:$0x3FB2]  }
0x2b: {  	s6 =	sld [smem:$0x3FB3]  }
0x2c: {  	s7 =	sld [smem:$0x3FB4]  }
0x2d: {  	s3 =	simm.s32 $0x108;
	s8 =	sld [smem:$0x3FB5]  }
0x2e: {  	s3 =	simm.s32 @!p0 $0x1082;
	s9 =	sld [smem:$0x3FB6]  }
0x2f: {  	lr =	sadd.s32 s0, s3;
	s0 =	sld [smem:$0x3FAD]  }
0x30: {  	s3 =	sld [smem:$0x3FB0]  }
0x31: {  	[smem:$0x3FB9] =	sst s10  }
0x32: {  	s10 =	sld [smem:$0x3FB7];
	_ =	sdelay $0x3  }
0x33: {  	p0 =	seq.s32 s10, $0x1;
	s10 =	sld [smem:$0x3FB9];
	_ =	sdelay $0x3  }
0x34: {  	[smem:$0x3FB9] =	sst s10  }
0x35: {  	s10 =	sld [smem:$0x3FB8];
	_ =	sdelay $0x3  }
0x36: {  	p1 =	seq.s32 s10, $0x1;
	s10 =	sld [smem:$0x3FB9];
	_ =	sdelay $0x3  }
0x37: {  	[smem:$0x3FB9] =	sst s10  }
0x38: {  	s10 =	sld [smem:$0x3FBA]  }
0x39: {  	_ = 	snop;
	(pc) =	sbr.ind lr, $3  }
0x3a: {  	_ = 	snop  }
0x3b: {  	_ = 	snop  }
0x3c: {  	p2 =	seq.s32 s10, $0x1;
	s10 =	sld [smem:$0x3FB9]  }
0x3d: {  	_ =	shalt  }
0x3e: {  	_ =	shalt  }
0x3f: {  	_ =	shalt  }
0x40: {  	_ =	shalt  }
0x41: {  	_ =	shalt  }
0x42: {  	_ =	shalt  }
0x43: {  	_ =	shalt  }
0x44: {  	_ =	shalt  }
0x45: {  	_ =	shalt  }
0x46: {  	_ =	shalt  }
0x47: {  	_ =	shalt  }
0x48: {  	_ =	shalt  }
0x49: {  	_ =	shalt  }
0x4a: {  	_ =	shalt  }
0x4b: {  	_ =	shalt  }
0x4c: {  	_ =	shalt  }
0x4d: {  	_ =	shalt  }
0x4e: {  	_ =	shalt  }
0x4f: {  	_ =	shalt  }
0x50: {  	_ =	shalt  }
0x51: {  	_ =	shalt  }
0x52: {  	_ =	shalt  }
0x53: {  	_ =	shalt  }
0x54: {  	_ =	shalt  }
0x55: {  	_ =	shalt  }
0x56: {  	_ =	shalt  }
0x57: {  	_ =	shalt  }
0x58: {  	_ =	shalt  }
0x59: {  	_ =	shalt  }
0x5a: {  	_ =	shalt  }
0x5b: {  	_ =	shalt  }
0x5c: {  	_ =	shalt  }
0x5d: {  	_ =	shalt  }
0x5e: {  	_ =	shalt  }
0x5f: {  	_ =	shalt  }
0x60: {  	_ =	shalt  }
0x61: {  	_ =	shalt  }
0x62: {  	_ =	shalt  }
0x63: {  	_ =	shalt  }
0x64: {  	_ =	shalt  }
0x65: {  	_ =	shalt  }
0x66: {  	_ =	shalt  }
0x67: {  	_ =	shalt  }
0x68: {  	_ =	shalt  }
0x69: {  	_ =	shalt  }
0x6a: {  	_ =	shalt  }
0x6b: {  	_ =	shalt  }
0x6c: {  	_ =	shalt  }
0x6d: {  	_ =	shalt  }
0x6e: {  	_ =	shalt  }
0x6f: {  	_ =	shalt  }
0x70: {  	_ =	shalt  }
0x71: {  	_ =	shalt  }
0x72: {  	_ =	shalt  }
0x73: {  	_ =	shalt  }
0x74: {  	_ =	shalt  }
0x75: {  	_ =	shalt  }
0x76: {  	_ =	shalt  }
0x77: {  	_ =	shalt  }
0x78: {  	_ =	shalt  }
0x79: {  	_ =	shalt  }
0x7a: {  	_ =	shalt  }
0x7b: {  	_ =	shalt  }
0x7c: {  	_ =	shalt  }
0x7d: {  	_ =	shalt  }
0x7e: {  	_ =	shalt  }
0x7f: {  	_ =	shalt  }
0x80: {  	_ =	shalt  }
0x81: {  	_ =	shalt  }
0x82: {  	_ =	shalt  }
0x83: {  	_ =	shalt  }
0x84: {  	_ =	shalt  }
0x85: {  	_ =	shalt  }
0x86: {  	_ =	shalt  }
0x87: {  	_ =	shalt  }
.Lfunc_end0:
.L_simem_size_0:
called_computation_lowered:
.L_overlay_start_0:
0x88: {  	s2 =	sld [smem:$0x3FD9]  }
0x89: {  	s3 =	sld [smem:$0x3FFE];
	_ =	sdelay $0x1  }
0x8a: {  	s1 =	srdreg.scid  }
0x8b: {  	s0 =	sand.u32 $0x1, s1  }
0x8c: {  	s17 =	sshll.u32 s0, $0xA;
	s2 =	sadd.s32 s3, s2  }
0x8d: {  	s2 =	sadd.s32 s2, s17  }
0x8e: {  	[smem:$0x3FC5] =	sst s2  }
0x8f: {  	_ = 	snop  }
0x90: {  	s2 =	sld [smem:$0x3FD0];
	(tm) =	ssettm $0x1  }
0x91: {  	s18 =	sld [smem:$0x3FFB];
	_ =	sdelay $0x3  }
0x92: {  	_ =	strace s18  }
0x93: {  	s3 =	sld [smem:$0x3FFC];
	_ =	sdelay $0x3  }
0x94: {  	_ =	strace s3  }
0x95: {  	s3 =	sld [smem:$0x3FFD];
	_ =	sdelay $0x3  }
0x96: {  	_ =	strace s3  }
0x97: {  	_ =	strace $0x8FFFFFFF  }
0x98: {  	s19 =	sld [smem:$0x3FDB];
	_ =	sdelay $0x1  }
0x99: {  	s4 =	simm.s32 $_scs_section_size  }
0x9a: {  	s5 =	simm.s32 $_size__tile_overlayer_lowered;
	s6 =	simm.s32 $_tile_overlayer_lowered  }
0x9b: {  	s22 =	simm.s32 $0x1BFF;
	s21 =	sshll.u32 s6, $0x1;
	s3 =	sadd.s32 s4, s19  }
0x9c: {  	s7 =	simm.s32 $0x0;
	s20 =	sshll.u32 s5, $0x1;
	s5 =	sadd.s32 s21, s3  }
0x9d: {  	[timem:s7], [sflag:s22] =	dma.local [hbm:s5], s20  }
0x9e: {  	_ =	swait.ge [sflag:s22], s20  }
0x9f: {  	s4 =	ssub.s32 $0x0, s20;
	[sflag:s22] =	ssyncset.done $0x0  }
0xa0: {  	[sflag:s22] =	ssyncadd.s32 s4;
	_ =	sdelay $0x1  }
0xa1: {  	s23 =	simm.s32 $0x1B8B  }
0xa2: {  	_ =	swait.ge [sflag:s23], $0x1  }
0xa3: {  	[sflag:s23] =	ssyncset.done $0x0  }
0xa4: {  	s25 =	simm.s32 $0x1B8E;
	s24 =	sld [smem:$0x3FFE];
	[sflag:s23] =	ssyncadd.s32 $0xFFFFFFFF  }
0xa5: {  	s26 =	simm.s32 $execute0_lowered;
	[smem:$0x3FD2] =	sst s25  }
0xa6: {  	s5 =	sshll.u32 s26, $0x1;
	_ =	strace $0x80000046;
	[dreg:$0x1] =	wrdreg $0xFFFFFFFF  }
0xa7: {  	s28 =	simm.s32 $_size_execute0_lowered;
	s3 =	sadd.s32 s3, s5;
	[dreg:$0x0] =	wrdreg $0x0  }
0xa8: {  	s5 =	sshll.u32 s28, $0x1;
	[dreg:$0x2] =	wrdreg s3  }
0xa9: {  	[dreg:$0x3] =	wrdreg s5  }
0xaa: {  	[dreg:$0x4] =	wrdreg $0xC0  }
0xab: {  	_ =	task [dreg:s7], $0x5FFFF  }
0xac: {  	[dreg:$0x1] =	wrdreg $0xFFFFFFFF  }
0xad: {  	[dreg:$0x0] =	wrdreg $0x60  }
0xae: {  	[dreg:$0x2] =	wrdreg s24  }
0xaf: {  	[dreg:$0x3] =	wrdreg s2  }
0xb0: {  	[dreg:$0x4] =	wrdreg $0x9  }
0xb1: {  	_ =	task.clear_ibuf [dreg:s7], $0x5FFFF;
	_ =	strace $0x90000046  }
0xb2: {  	s29 =	simm.s32 $0x9;
	_ =	strace $0x80000048  }
0xb3: {  	_ =	swait.ge [sflag:s29], $0x1  }
0xb4: {  	[sflag:s29] =	ssyncadd.s32 $0xFFFFFFFF  }
0xb5: {  	_ =	strace $0x90000048  }
0xb6: {  	_ =	sfence  }
0xb7: {  	s30 =	sld [smem:$0x0];
	_ =	sdelay $0x2  }
0xb8: {  	s31 =	sshll.u32 s1, $0xD;
	s1 =	sshrl.u32 s1, $0x2  }
0xb9: {  	s3 =	sand.u32 $0x4000, s31;
	s1 =	sadd.s32 s1, s30  }
0xba: {  	s0 =	sor.u32 s3, s0;
	s1 =	sshll.u32 s1, $0x11  }
0xbb: {  	s0 =	sor.u32 s1, s0  }
0xbc: {  	s0 =	sadd.s32 $0x8F2B, s0  }
0xbd: {  	[sflag:s0] =	ssyncadd.remote.s32 $0x1  }
0xbe: {  	_ =	sfence.sel $0xFFFF  }
0xbf: {  	[dreg:$0x0] =	wrdreg $0xFFFFFFFF;
	(pc) =	sbr.abs _section_cstart, $3  }
0xc0: {  	[dreg:$0x1] =	wrdreg $0xFFFFFFFF  }
0xc1: {  	_ =	task.clear_ibuf [dreg:s7], $0x2FFFF;
	_ =	strace $0x9FFFFFFF  }
0xc2: {  	(tm) =	ssettm $0x7FFFFFFF  }
0xc3: {  	_ =	shalt  }
tec
execute0_lowered:
.L_overlay_start_1:
0x0: {  	(tag) =	ssettag $0x1  }
0x1: {  	s1 =	srdreg.scid;
	s3 =	rddreg [dreg:$0x0]  }
0x2: {  	s0 =	stileid.u32;
	s10 =	rddreg [dreg:$0x1]  }
0x3: {  	s12 =	simm.s32 $0x40;
	s13 =	simm.s32 $0x1900;
	s14 =	simm.s32 $0x2900  }
0x4: {  	s16 =	simm.s32 $0x3900;
	s18 =	simm.s32 $0x4900;
	s19 =	simm.s32 $0x1  }
0x5: {  	s20 =	simm.s32 $0x2;
	s21 =	simm.s32 $0x4;
	s22 =	simm.s32 $0x5  }
0x6: {  	s23 =	simm.s32 $0x6;
	s24 =	simm.s32 $0x7;
	s25 =	simm.s32 $0x8  }
0x7: {  	s1 =	sand.u32 $0x1, s1;
	s2 =	sshll.u32 s0, $0x1;
	s7 =	smul.u32 $0xC8000, s0  }
0x8: {  	s4 =	sor.u32 s1, s2;
	s29 =	ssub.s32 $0x2, s1;
	s1 =	smul.u32 $0x64000, s1  }
0x9: {  	s26 =	simm.s32 $0x0;
	s2 =	simm.s32 $0x0;
	s5 =	smul.u32 $0x320, s4  }
0xa: {  	s6 =	smul.u32 $0x64000, s4;
	[smem:$0x7FF] =	sst s2;
	s8 =	sshrl.u32 s29, $0x1  }
0xb: {  	_ =	strace $0x80000047;
	s8 =	ssub.s32 s29, s8;
	s1 =	sadd.s32 s1, s7  }
0xc: {  	s5 =	sadd.s32 s5, s3;
	s3 =	sadd.s32 $0xF42E00, s3;
	s6 =	sshrl.u32 s6, $0x3  }
0xd: {  	s7 =	sor.u32 $0x2000, s1;
	s31 =	sor.u32 $0x1000, s1;
	s9 =	sor.u32 $0x3000, s1  }
.Ltmp0:
0xe: {  	s1 =	sshrl.u32 s1, $0x3;
	s30 =	sadd.s32 $0xA00, s5;
	(pc) =	sbr.rel .LBB2_1-.Ltmp0, $4  }
0xf: {  	s5 =	smax.u32 s8, $0x1;
	s6 =	sadd.s32 s10, s6;
	s7 =	sshrl.u32 s7, $0x3  }
0x10: {  	s8 =	sshrl.u32 s31, $0x3;
	s11 =	sshrl.u32 s9, $0x3;
	s9 =	sadd.s32 s1, s10  }
0x11: {  	[dreg:$0x3] =	wrdreg s30;
	s6 =	sadd.s32 $0xC400, s6;
	s7 =	sadd.s32 s7, s10  }
0x12: {  	s8 =	sadd.s32 s8, s10;
	s10 =	sadd.s32 s11, s10;
	s11 =	simm.s32 $0x9  }
.LBB2_4:
0x13: {  	_ =	swait.ge [sflag:s22], $0x1000  }
0x14: {  	[sflag:s22] =	ssyncset.done $0x0  }
0x15: {  	[sflag:s22] =	ssyncadd.s32 $0xFFFFF000  }
0x16: {  	_ =	swait.ge [sflag:s23], $0x1000  }
0x17: {  	[sflag:s23] =	ssyncset.done $0x0  }
0x18: {  	s26 =	sadd.s32 $0x1, s26;
	[sflag:s23] =	ssyncadd.s32 $0xFFFFF000  }
0x19: {  	p0 =	sne.s32 s26, s5;
	_ =	swait.ge [sflag:s24], $0x1000  }
.Ltmp1:
0x1a: {  	[sflag:s24] =	ssyncset.done $0x0;
	(pc) =	sbr.rel @!p0 .LBB2_5-.Ltmp1, $4  }
0x1b: {  	[sflag:s24] =	ssyncadd.s32 $0xFFFFF000  }
0x1c: {  	_ =	swait.ge [sflag:s25], $0x1000  }
0x1d: {  	[sflag:s25] =	ssyncset.done $0x0  }
0x1e: {  	[sflag:s25] =	ssyncadd.s32 $0xFFFFF000  }
.LBB2_1:
0x1f: {  	s0 =	rddreg [dreg:$0x3]  }
0x20: {  	[tilespmem:s2], [sflag:$0x9] =	stream.linear.gather [hbm4b:s0+s2], $0x1900, $0x38;
	[tilespmem:$0x5900] =	vst v63  }
0x21: {  	_ =	swait.ge [sflag:s11], $0x1900  }
0x22: {  	[sflag:s11] =	ssyncset.done $0x0  }
0x23: {  	[sflag:s11] =	ssyncadd.s32 $0xFFFFE700  }
0x24: {  	[tilespmem:s13], [sflag:$0x1] =	stream.indirect.gather [hbm4b:s3+s12], $0x40, s2, s12, $0xb8;
	[tilespmem:$0x5900] =	vst v63  }
0x25: {  	s15 =	simm.s32 $0x80  }
0x26: {  	[tilespmem:s14], [sflag:$0x2] =	stream.indirect.gather [hbm4b:s3+s12], $0x40, s12, s12, $0xb8;
	[tilespmem:$0x5900] =	vst v63  }
0x27: {  	s17 =	simm.s32 $0xC0;
	s28 =	smov.u32 s10;
	s29 =	smov.u32 s9  }
0x28: {  	[tilespmem:s16], [sflag:$0x3] =	stream.indirect.gather [hbm4b:s3+s12], $0x40, s15, s12, $0xb8;
	[tilespmem:$0x5900] =	vst v63  }
0x29: {  	s30 =	smov.u32 s8;
	s31 =	smov.u32 s7;
	s1 =	simm.s32 $0x0  }
0x2a: {  	[tilespmem:s18], [sflag:$0x4] =	stream.indirect.gather [hbm4b:s3+s12], $0x40, s17, s12, $0xb8;
	[tilespmem:$0x5900] =	vst v63  }
.LBB2_2:
0x2b: {  	_ =	swait.ge [sflag:s19], $0x1000  }
0x2c: {  	p0 =	seq.s32 s1, $0x0;
	[sflag:s19] =	ssyncset.done $0x0  }
0x2d: {  	s0 =	simm.s32 @!p0 $0x8;
	[sflag:s19] =	ssyncadd.s32 $0xFFFFF000  }
0x2e: {  	[hbm4b:s29+s2] =	stream.linear.scatter [tilespmem:s13], [sflag:$0x5], $0x1000, $0x38;
	[tilespmem:$0x5900] =	vst v63  }
0x2f: {  	_ =	swait.ge @!p0 [sflag:s0], $0x1000  }
0x30: {  	[sflag:s0] =	ssyncset.done @!p0 $0x0  }
0x31: {  	[sflag:s0] =	ssyncadd.s32 @!p0 $0xFFFFF000;
	s0 =	sshra.s32 @!p0 s1, $0x2  }
0x32: {  	s15 =	simm.s32 @!p0 $0x40;
	s17 =	simm.s32 @!p0 $0x4900;
	s0 =	sadd.s32 @!p0 $0xC0, s0  }
0x33: {  	[tilespmem:s17], [sflag:$0x4] =	stream.indirect.gather @!p0 [hbm4b:s3+s15], $0x40, s0, s15, $0xb8;
	[tilespmem:$0x5900] =	vst v63  }
0x34: {  	_ =	swait.ge [sflag:s20], $0x1000  }
0x35: {  	p0 =	seq.s32 s1, $0x6000;
	[sflag:s20] =	ssyncset.done $0x0  }
0x36: {  	s0 =	simm.s32 @p0 $0x3;
	[sflag:s20] =	ssyncadd.s32 $0xFFFFF000  }
0x37: {  	[hbm4b:s30+s2] =	stream.linear.scatter [tilespmem:s14], [sflag:$0x6], $0x1000, $0x38;
	[tilespmem:$0x5900] =	vst v63  }
0x38: {  	_ =	swait.ge @p0 [sflag:s0], $0x1000  }
0x39: {  	[sflag:s0] =	ssyncset.done @p0 $0x0  }
0x3a: {  	s15 =	simm.s32 @p0 $0x3900;
	[sflag:s0] =	ssyncadd.s32 @p0 $0xFFFFF000;
	s0 =	simm.s32 @p0 $0x0  }
0x3b: {  	[hbm4b:s6+s0] =	stream.linear.scatter @p0 [tilespmem:s15], [sflag:$0x7], $0x1000, $0x38;
	[tilespmem:$0x5900] =	vst v63  }
0x3c: {  	s0 =	simm.s32 @!p0 $0x5  }
0x3d: {  	_ =	swait.ge @!p0 [sflag:s0], $0x1000  }
0x3e: {  	[sflag:s0] =	ssyncset.done @!p0 $0x0  }
0x3f: {  	[sflag:s0] =	ssyncadd.s32 @!p0 $0xFFFFF000;
	s0 =	sshra.s32 @!p0 s1, $0x2  }
0x40: {  	s17 =	simm.s32 @!p0 $0x40;
	s4 =	simm.s32 @!p0 $0x1900;
	s15 =	sadd.s32 @!p0 $0x100, s0  }
0x41: {  	[tilespmem:s4], [sflag:$0x1] =	stream.indirect.gather @!p0 [hbm4b:s3+s17], $0x40, s15, s17, $0xb8;
	[tilespmem:$0x5900] =	vst v63  }
0x42: {  	s4 =	simm.s32 @!p0 $0x3  }
0x43: {  	_ =	swait.ge @!p0 [sflag:s4], $0x1000  }
0x44: {  	[sflag:s4] =	ssyncset.done @!p0 $0x0  }
0x45: {  	s15 =	simm.s32 @!p0 $0x3900;
	[sflag:s4] =	ssyncadd.s32 @!p0 $0xFFFFF000;
	s4 =	simm.s32 @!p0 $0x0  }
0x46: {  	[hbm4b:s31+s4] =	stream.linear.scatter @!p0 [tilespmem:s15], [sflag:$0x7], $0x1000, $0x38;
	[tilespmem:$0x5900] =	vst v63  }
0x47: {  	s4 =	simm.s32 @!p0 $0x6  }
0x48: {  	_ =	swait.ge @!p0 [sflag:s4], $0x1000  }
0x49: {  	[sflag:s4] =	ssyncset.done @!p0 $0x0  }
0x4a: {  	s0 =	sadd.s32 @!p0 $0x140, s0;
	[sflag:s4] =	ssyncadd.s32 @!p0 $0xFFFFF000;
	s4 =	simm.s32 @!p0 $0x2900  }
0x4b: {  	[tilespmem:s4], [sflag:$0x2] =	stream.indirect.gather @!p0 [hbm4b:s3+s17], $0x40, s0, s17, $0xb8;
	[tilespmem:$0x5900] =	vst v63  }
.Ltmp2:
0x4c: {  	_ = 	snop;
	(pc) =	sbr.rel @p0 .LBB2_4-.Ltmp2, $4  }
0x4d: {  	_ =	swait.ge [sflag:s21], $0x1000  }
0x4e: {  	[sflag:s21] =	ssyncset.done $0x0  }
0x4f: {  	[sflag:s21] =	ssyncadd.s32 $0xFFFFF000  }
0x50: {  	[hbm4b:s28+s2] =	stream.linear.scatter [tilespmem:s18], [sflag:$0x8], $0x1000, $0x38;
	[tilespmem:$0x5900] =	vst v63  }
.Ltmp3:
0x51: {  	_ =	swait.ge [sflag:s24], $0x1000;
	(pc) =	sbr.rel .LBB2_2-.Ltmp3, $4  }
0x52: {  	s0 =	sshra.s32 s1, $0x2;
	s1 =	sadd.s32 $0x400, s1;
	s31 =	sadd.s32 $0x800, s31  }
0x53: {  	s30 =	sadd.s32 $0x800, s30;
	s29 =	sadd.s32 $0x800, s29;
	[sflag:s24] =	ssyncset.done $0x0  }
0x54: {  	s28 =	sadd.s32 $0x800, s28;
	s0 =	sadd.s32 $0x180, s0;
	[sflag:s24] =	ssyncadd.s32 $0xFFFFF000  }
0x55: {  	[tilespmem:s16], [sflag:$0x3] =	stream.indirect.gather [hbm4b:s3+s12], $0x40, s0, s12, $0xb8;
	[tilespmem:$0x5900] =	vst v63  }
.LBB2_5:
0x56: {  	_ =	sfence.sel $0x180000  }
0x57: {  	[bflag:$0x0] =	sbarrier.arrive $0xFFFF  }
0x58: {  	_ =	strace $0x90000047  }
0x59: {  	s0 =	stileid.u32;
	[bflag:$0x2] =	sbarrier.arrive $0xFFFF  }
0x5a: {  	p0 =	sne.s32 s0, $0x0;
	s0 =	rddreg [dreg:$0x2]  }
0x5b: {  	s0 =	sadd.s32 @!p0 $0x100000, s0  }
0x5c: {  	[sflag:s0] =	ssyncadd.tile.s32 @!p0 $0x1;
	_ =	shalt  }
.Lfunc_end2:
_tile_overlayer_lowered:
.L_overlay_start_2:
0x5d: {  	(tag) =	ssettag $0x2  }
0x5e: {  	s0 =	rddreg [dreg:$0x0];
	s2 =	stileid.u32  }
0x5f: {  	s1 =	rddreg [dreg:$0x1];
	p0 =	sne.s32 s2, $0x0  }
0x60: {  	s3 =	rddreg [dreg:$0x2];
	[bflag:$0x3] =	sbarrier.arrive $0xFFFF;
	s2 =	simm.s32 @!p0 $0x1C09  }
0x61: {  	[timem:s3], [sflag:s2] =	dma.local @!p0 [hbm:s0], s1  }
0x62: {  	s0 =	simm.s32 @!p0 $0x9  }
0x63: {  	_ =	swait.ge @!p0 [sflag:s0], s1  }
0x64: {  	s1 =	ssub.s32 @!p0 $0x0, s1;
	[sflag:s0] =	ssyncset.done @!p0 $0x0  }
0x65: {  	[sflag:s0] =	ssyncadd.s32 @!p0 s1  }
0x66: {  	[bflag:$0x3] =	sbarrier.arrive $0xFFFF  }
0x67: {  	_ =	shalt  }

</sc_bundles>
